<compile_context>
chip_gen: v7x
topology: tpu7x:2x2x1
jax: 0.10.2.dev20260603
libtpu: 0.0.44.dev20260713+nightly
codegen_flags: <defaults>
</compile_context>

<pallas_src>
import functools

import jax
import jax.numpy as jnp
import numpy as np
from jax import lax
from jax.experimental import pallas as pl
from jax.experimental.pallas import tpu as pltpu
from jax.experimental.pallas import tpu_sc as plsc

_FIELD_DIMS = [100000] * 26
_NF = len(_FIELD_DIMS)
_B = 16384
_V = 2600000
_L = 16
_NC, _NS = 2, 16
_NW = _NC * _NS
_BPW = _B // _NW
_GPW = _BPW * _NF
_CHUNKS = _BPW // _L

_OFFSETS = np.concatenate(([0], np.cumsum(np.array(_FIELD_DIMS))[:-1])).astype(np.int32)

_mesh = plsc.VectorSubcoreMesh(core_axis_name="c", subcore_axis_name="s")


_FBLK = 163840
_FGRID = (_V + _FBLK - 1) // _FBLK


def _flatten_body(t_ref, o_ref):
    o_ref[...] = t_ref[0, :]


_tc_flatten_call = pl.pallas_call(
    _flatten_body,
    grid=(_FGRID,),
    in_specs=[pl.BlockSpec((1, _FBLK), lambda i: (0, i))],
    out_specs=pl.BlockSpec((_FBLK,), lambda i: (i,)),
    out_shape=jax.ShapeDtypeStruct((_V,), jnp.float32),
)


def _tc_flatten(table):
    return _tc_flatten_call(lax.transpose(table, (1, 0)))


@functools.partial(
    pl.kernel,
    out_type=jax.ShapeDtypeStruct((_B,), jnp.float32),
    mesh=_mesh,
    scratch_types=[
        pltpu.VMEM((_GPW,), jnp.int32),
        pltpu.VMEM((_GPW,), jnp.float32),
        pltpu.VMEM((_BPW,), jnp.float32),
        pltpu.SemaphoreType.DMA,
    ],
    compiler_params=pltpu.CompilerParams(needs_layout_passes=False),
)
def _sc_lookup(idx_hbm, table_hbm, out_hbm, idx_v, rows_v, out_v, sem):
    wid = lax.axis_index("s") * _NC + lax.axis_index("c")
    gbase = wid * _GPW
    obase = wid * _BPW

    pltpu.sync_copy(idx_hbm.at[pl.ds(gbase, _GPW)], idx_v)
    pltpu.async_copy(table_hbm.at[idx_v], rows_v, sem).wait()

    lanes = lax.iota(jnp.int32, _L) * _NF

    def chunk_body(c, _):
        base = c * (_L * _NF)
        acc = jnp.zeros((_L,), jnp.float32)
        for f in range(_NF):
            acc = acc + plsc.load_gather(rows_v, [lanes + (base + f)])
        out_v[pl.ds(c * _L, _L)] = acc
        return _

    lax.fori_loop(0, _CHUNKS, chunk_body, None)
    pltpu.sync_copy(out_v, out_hbm.at[pl.ds(obase, _BPW)])


def kernel(x, table, bias):
    offsets = jnp.asarray(_OFFSETS)
    idx = (x + offsets[None, :]).reshape(-1)
    wx = _sc_lookup(idx, _tc_flatten(table))
    return wx[:, None] + bias[None, :]

# --- scband reference (transcript-rebuilt; emitter-appended) ---
"""Pipeline reference for scband-features-linear-87299505259040 (READ-ONLY COPY).

The authoritative reference and input builder live on the scoring server;
editing this copy changes nothing except your own understanding.
"""

import jax, jax.numpy as jnp
import numpy as np

FIELD_DIMS = [100000] * 26
TOTAL_ROWS = int(sum(FIELD_DIMS))
OUTPUT_DIM = 1
BATCH = 16384


def setup_inputs(seed: int = 0) -> dict:
    key = jax.random.key(seed)
    k1, k2 = jax.random.split(key)
    x = jax.random.randint(k1, (BATCH, len(FIELD_DIMS)), 0, 100000, dtype=jnp.int32)
    table = jax.random.normal(k2, (TOTAL_ROWS, OUTPUT_DIM), dtype=jnp.float32) * 0.01
    bias = jnp.zeros((OUTPUT_DIM,), dtype=jnp.float32)
    return {"x": x, "table": table, "bias": bias}


def reference(x, table, bias):
    offsets_np = np.concatenate(([0], np.cumsum(np.array(FIELD_DIMS))[:-1])).astype(np.int32)
    offsets = jnp.asarray(offsets_np, dtype=x.dtype)
    idx = x + offsets[None, :]              # [B, F] global row ids
    fc = jnp.take(table, idx, axis=0)        # [B, F, output_dim] gather
    wx = jnp.sum(fc, axis=1)                 # [B, output_dim]
    lr = wx + bias
    return lr

if __name__ == "__main__":
    import jax
    _d = setup_inputs()
    print(jax.jit(kernel)(*tuple(_d.values())))

</pallas_src>

<mosaic_0001>
#map = affine_map<(d0, d1) -> (0)>
module attributes {stable_mosaic.version = 14 : i64} {
  func.func @_sc_lookup(%arg0: i32, %arg1: i32, %arg2: memref<425984xi32, #tpu.memory_space<hbm>>, %arg3: memref<2600000xf32, #tpu.memory_space<hbm>>, %arg4: memref<16384xf32, #tpu.memory_space<hbm>>, %arg5: memref<13312xi32, #tpu.memory_space<vmem>>, %arg6: memref<13312xf32, #tpu.memory_space<vmem>>, %arg7: memref<512xf32, #tpu.memory_space<vmem>>, %arg8: memref<!tpu.dma_semaphore, #tpu.memory_space<semaphore_mem>>) attributes {dimension_semantics = [#tpu.dimension_semantics<core_parallel>, #tpu.dimension_semantics<subcore_parallel>], iteration_bounds = array<i64: 2, 16>, scalar_prefetch = 0 : i64, scratch_operands = 4 : i64, tpu.core_type = #tpu.core_type<sc_vector_subcore>, window_params = [{transform_indices = #map}, {transform_indices = #map}, {transform_indices = #map}]} {
    %mul3A = arith.constant 2 : i32
    %mul3A_0 = arith.muli %arg1, %mul3A : i32
    %add3A = arith.addi %mul3A_0, %arg0 : i32
    %mul3A_1 = arith.constant 13312 : i32
    %mul3A_2 = arith.muli %add3A, %mul3A_1 : i32
    %mul3A_3 = arith.constant 512 : i32
    %mul3A_4 = arith.muli %add3A, %mul3A_3 : i32
    "tpu.region"() ({
      %run_scoped3A = tpu.sem_alloc : memref<!tpu.dma_semaphore, #tpu.memory_space<semaphore_mem>>
      %dma_start3A_14 = tpu.memref_slice %arg2[%mul3A_2] : memref<425984xi32, #tpu.memory_space<hbm>> -> memref<13312xi32, #tpu.memory_space<hbm>>
      %dma_start3A_15 = tpu.memref_slice %arg2[%mul3A_2] : memref<425984xi32, #tpu.memory_space<hbm>> -> memref<13312xi32, #tpu.memory_space<hbm>>
      tpu.enqueue_dma source(%dma_start3A_15 : memref<13312xi32, #tpu.memory_space<hbm>>) target(%arg5 : memref<13312xi32, #tpu.memory_space<vmem>>) target_semaphore(%run_scoped3A : memref<!tpu.dma_semaphore, #tpu.memory_space<semaphore_mem>>)
      %dma_wait3A_16 = tpu.memref_slice %arg2[%mul3A_2] : memref<425984xi32, #tpu.memory_space<hbm>> -> memref<13312xi32, #tpu.memory_space<hbm>>
      %dma_wait3A_17 = tpu.memref_slice %arg2[%mul3A_2] : memref<425984xi32, #tpu.memory_space<hbm>> -> memref<13312xi32, #tpu.memory_space<hbm>>
      tpu.wait_dma2 semaphore(%run_scoped3A : memref<!tpu.dma_semaphore, #tpu.memory_space<semaphore_mem>>) src(%dma_wait3A_17 : memref<13312xi32, #tpu.memory_space<hbm>>) dst(%arg5 : memref<13312xi32, #tpu.memory_space<vmem>>)
      tpu.yield
    }) : () -> ()
    %dma_start3A = arith.constant 0 : i32
    %dma_start3A_5 = tpu.memref_slice %arg3[%dma_start3A] : memref<2600000xf32, #tpu.memory_space<hbm>> -> memref<2600000xf32, #tpu.memory_space<hbm>>
    tpu.enqueue_indirect_dma source(%dma_start3A_5 : memref<2600000xf32, #tpu.memory_space<hbm>>) target(%arg6 : memref<13312xf32, #tpu.memory_space<vmem>>) offsets(%arg5 : memref<13312xi32, #tpu.memory_space<vmem>>) semaphore(%arg8 : memref<!tpu.dma_semaphore, #tpu.memory_space<semaphore_mem>>)
    %dma_wait3A = arith.constant 0 : i32
    %dma_wait3A_6 = tpu.memref_slice %arg3[%dma_wait3A] : memref<2600000xf32, #tpu.memory_space<hbm>> -> memref<2600000xf32, #tpu.memory_space<hbm>>
    tpu.wait_indirect_dma semaphore(%arg8 : memref<!tpu.dma_semaphore, #tpu.memory_space<semaphore_mem>>) src(%dma_wait3A_6 : memref<2600000xf32, #tpu.memory_space<hbm>>) dst(%arg6 : memref<13312xf32, #tpu.memory_space<vmem>>)
    %iota3A = tpu.iota {dimensions = array<i32: 0>} : vector<16xi32>
    %mul3A_7 = arith.constant 26 : i32
    %mul3A_8 = vector.broadcast %mul3A_7 : i32 to vector<16xi32>
    %mul3A_9 = arith.muli %iota3A, %mul3A_8 : vector<16xi32>
    %scan3A = arith.constant 0 : i32
    %scan3A_10 = arith.constant 32 : i32
    %scan3A_11 = arith.addi %scan3A, %scan3A_10 : i32
    %scan3A_12 = arith.constant 1 : i32
    scf.for %scan3A_14 = %scan3A to %scan3A_11 step %scan3A_12  : i32 {
      %mul3A_15 = arith.constant 416 : i32
      %mul3A_16 = arith.muli %scan3A_14, %mul3A_15 : i32
      %broadcast_in_dim3A = arith.constant 0.000000e+00 : f32
      %broadcast_in_dim3A_17 = vector.broadcast %broadcast_in_dim3A : f32 to vector<16xf32>
      %add3A_18 = arith.constant 0 : i32
      %add3A_19 = arith.addi %mul3A_16, %add3A_18 : i32
      %add3A_20 = vector.broadcast %add3A_19 : i32 to vector<16xi32>
      %add3A_21 = arith.addi %mul3A_9, %add3A_20 : vector<16xi32>
      %gather3A = tpu.vector_load_idx %arg6[%add3A_21] : memref<13312xf32, #tpu.memory_space<vmem>>[vector<16xi32>], vector<16xf32>,
      %add3A_22 = arith.addf %broadcast_in_dim3A_17, %gather3A : vector<16xf32>
      %add3A_23 = arith.constant 1 : i32
      %add3A_24 = arith.addi %mul3A_16, %add3A_23 : i32
      %add3A_25 = vector.broadcast %add3A_24 : i32 to vector<16xi32>
      %add3A_26 = arith.addi %mul3A_9, %add3A_25 : vector<16xi32>
      %gather3A_27 = tpu.vector_load_idx %arg6[%add3A_26] : memref<13312xf32, #tpu.memory_space<vmem>>[vector<16xi32>], vector<16xf32>,
      %add3A_28 = arith.addf %add3A_22, %gather3A_27 : vector<16xf32>
      %add3A_29 = arith.constant 2 : i32
      %add3A_30 = arith.addi %mul3A_16, %add3A_29 : i32
      %add3A_31 = vector.broadcast %add3A_30 : i32 to vector<16xi32>
      %add3A_32 = arith.addi %mul3A_9, %add3A_31 : vector<16xi32>
      %gather3A_33 = tpu.vector_load_idx %arg6[%add3A_32] : memref<13312xf32, #tpu.memory_space<vmem>>[vector<16xi32>], vector<16xf32>,
      %add3A_34 = arith.addf %add3A_28, %gather3A_33 : vector<16xf32>
      %add3A_35 = arith.constant 3 : i32
      %add3A_36 = arith.addi %mul3A_16, %add3A_35 : i32
      %add3A_37 = vector.broadcast %add3A_36 : i32 to vector<16xi32>
      %add3A_38 = arith.addi %mul3A_9, %add3A_37 : vector<16xi32>
      %gather3A_39 = tpu.vector_load_idx %arg6[%add3A_38] : memref<13312xf32, #tpu.memory_space<vmem>>[vector<16xi32>], vector<16xf32>,
      %add3A_40 = arith.addf %add3A_34, %gather3A_39 : vector<16xf32>
      %add3A_41 = arith.constant 4 : i32
      %add3A_42 = arith.addi %mul3A_16, %add3A_41 : i32
      %add3A_43 = vector.broadcast %add3A_42 : i32 to vector<16xi32>
      %add3A_44 = arith.addi %mul3A_9, %add3A_43 : vector<16xi32>
      %gather3A_45 = tpu.vector_load_idx %arg6[%add3A_44] : memref<13312xf32, #tpu.memory_space<vmem>>[vector<16xi32>], vector<16xf32>,
      %add3A_46 = arith.addf %add3A_40, %gather3A_45 : vector<16xf32>
      %add3A_47 = arith.constant 5 : i32
      %add3A_48 = arith.addi %mul3A_16, %add3A_47 : i32
      %add3A_49 = vector.broadcast %add3A_48 : i32 to vector<16xi32>
      %add3A_50 = arith.addi %mul3A_9, %add3A_49 : vector<16xi32>
      %gather3A_51 = tpu.vector_load_idx %arg6[%add3A_50] : memref<13312xf32, #tpu.memory_space<vmem>>[vector<16xi32>], vector<16xf32>,
      %add3A_52 = arith.addf %add3A_46, %gather3A_51 : vector<16xf32>
      %add3A_53 = arith.constant 6 : i32
      %add3A_54 = arith.addi %mul3A_16, %add3A_53 : i32
      %add3A_55 = vector.broadcast %add3A_54 : i32 to vector<16xi32>
      %add3A_56 = arith.addi %mul3A_9, %add3A_55 : vector<16xi32>
      %gather3A_57 = tpu.vector_load_idx %arg6[%add3A_56] : memref<13312xf32, #tpu.memory_space<vmem>>[vector<16xi32>], vector<16xf32>,
      %add3A_58 = arith.addf %add3A_52, %gather3A_57 : vector<16xf32>
      %add3A_59 = arith.constant 7 : i32
      %add3A_60 = arith.addi %mul3A_16, %add3A_59 : i32
      %add3A_61 = vector.broadcast %add3A_60 : i32 to vector<16xi32>
      %add3A_62 = arith.addi %mul3A_9, %add3A_61 : vector<16xi32>
      %gather3A_63 = tpu.vector_load_idx %arg6[%add3A_62] : memref<13312xf32, #tpu.memory_space<vmem>>[vector<16xi32>], vector<16xf32>,
      %add3A_64 = arith.addf %add3A_58, %gather3A_63 : vector<16xf32>
      %add3A_65 = arith.constant 8 : i32
      %add3A_66 = arith.addi %mul3A_16, %add3A_65 : i32
      %add3A_67 = vector.broadcast %add3A_66 : i32 to vector<16xi32>
      %add3A_68 = arith.addi %mul3A_9, %add3A_67 : vector<16xi32>
      %gather3A_69 = tpu.vector_load_idx %arg6[%add3A_68] : memref<13312xf32, #tpu.memory_space<vmem>>[vector<16xi32>], vector<16xf32>,
      %add3A_70 = arith.addf %add3A_64, %gather3A_69 : vector<16xf32>
      %add3A_71 = arith.constant 9 : i32
      %add3A_72 = arith.addi %mul3A_16, %add3A_71 : i32
      %add3A_73 = vector.broadcast %add3A_72 : i32 to vector<16xi32>
      %add3A_74 = arith.addi %mul3A_9, %add3A_73 : vector<16xi32>
      %gather3A_75 = tpu.vector_load_idx %arg6[%add3A_74] : memref<13312xf32, #tpu.memory_space<vmem>>[vector<16xi32>], vector<16xf32>,
      %add3A_76 = arith.addf %add3A_70, %gather3A_75 : vector<16xf32>
      %add3A_77 = arith.constant 10 : i32
      %add3A_78 = arith.addi %mul3A_16, %add3A_77 : i32
      %add3A_79 = vector.broadcast %add3A_78 : i32 to vector<16xi32>
      %add3A_80 = arith.addi %mul3A_9, %add3A_79 : vector<16xi32>
      %gather3A_81 = tpu.vector_load_idx %arg6[%add3A_80] : memref<13312xf32, #tpu.memory_space<vmem>>[vector<16xi32>], vector<16xf32>,
      %add3A_82 = arith.addf %add3A_76, %gather3A_81 : vector<16xf32>
      %add3A_83 = arith.constant 11 : i32
      %add3A_84 = arith.addi %mul3A_16, %add3A_83 : i32
      %add3A_85 = vector.broadcast %add3A_84 : i32 to vector<16xi32>
      %add3A_86 = arith.addi %mul3A_9, %add3A_85 : vector<16xi32>
      %gather3A_87 = tpu.vector_load_idx %arg6[%add3A_86] : memref<13312xf32, #tpu.memory_space<vmem>>[vector<16xi32>], vector<16xf32>,
      %add3A_88 = arith.addf %add3A_82, %gather3A_87 : vector<16xf32>
      %add3A_89 = arith.constant 12 : i32
      %add3A_90 = arith.addi %mul3A_16, %add3A_89 : i32
      %add3A_91 = vector.broadcast %add3A_90 : i32 to vector<16xi32>
      %add3A_92 = arith.addi %mul3A_9, %add3A_91 : vector<16xi32>
      %gather3A_93 = tpu.vector_load_idx %arg6[%add3A_92] : memref<13312xf32, #tpu.memory_space<vmem>>[vector<16xi32>], vector<16xf32>,
      %add3A_94 = arith.addf %add3A_88, %gather3A_93 : vector<16xf32>
      %add3A_95 = arith.constant 13 : i32
      %add3A_96 = arith.addi %mul3A_16, %add3A_95 : i32
      %add3A_97 = vector.broadcast %add3A_96 : i32 to vector<16xi32>
      %add3A_98 = arith.addi %mul3A_9, %add3A_97 : vector<16xi32>
      %gather3A_99 = tpu.vector_load_idx %arg6[%add3A_98] : memref<13312xf32, #tpu.memory_space<vmem>>[vector<16xi32>], vector<16xf32>,
      %add3A_100 = arith.addf %add3A_94, %gather3A_99 : vector<16xf32>
      %add3A_101 = arith.constant 14 : i32
      %add3A_102 = arith.addi %mul3A_16, %add3A_101 : i32
      %add3A_103 = vector.broadcast %add3A_102 : i32 to vector<16xi32>
      %add3A_104 = arith.addi %mul3A_9, %add3A_103 : vector<16xi32>
      %gather3A_105 = tpu.vector_load_idx %arg6[%add3A_104] : memref<13312xf32, #tpu.memory_space<vmem>>[vector<16xi32>], vector<16xf32>,
      %add3A_106 = arith.addf %add3A_100, %gather3A_105 : vector<16xf32>
      %add3A_107 = arith.constant 15 : i32
      %add3A_108 = arith.addi %mul3A_16, %add3A_107 : i32
      %add3A_109 = vector.broadcast %add3A_108 : i32 to vector<16xi32>
      %add3A_110 = arith.addi %mul3A_9, %add3A_109 : vector<16xi32>
      %gather3A_111 = tpu.vector_load_idx %arg6[%add3A_110] : memref<13312xf32, #tpu.memory_space<vmem>>[vector<16xi32>], vector<16xf32>,
      %add3A_112 = arith.addf %add3A_106, %gather3A_111 : vector<16xf32>
      %add3A_113 = arith.constant 16 : i32
      %add3A_114 = arith.addi %mul3A_16, %add3A_113 : i32
      %add3A_115 = vector.broadcast %add3A_114 : i32 to vector<16xi32>
      %add3A_116 = arith.addi %mul3A_9, %add3A_115 : vector<16xi32>
      %gather3A_117 = tpu.vector_load_idx %arg6[%add3A_116] : memref<13312xf32, #tpu.memory_space<vmem>>[vector<16xi32>], vector<16xf32>,
      %add3A_118 = arith.addf %add3A_112, %gather3A_117 : vector<16xf32>
      %add3A_119 = arith.constant 17 : i32
      %add3A_120 = arith.addi %mul3A_16, %add3A_119 : i32
      %add3A_121 = vector.broadcast %add3A_120 : i32 to vector<16xi32>
      %add3A_122 = arith.addi %mul3A_9, %add3A_121 : vector<16xi32>
      %gather3A_123 = tpu.vector_load_idx %arg6[%add3A_122] : memref<13312xf32, #tpu.memory_space<vmem>>[vector<16xi32>], vector<16xf32>,
      %add3A_124 = arith.addf %add3A_118, %gather3A_123 : vector<16xf32>
      %add3A_125 = arith.constant 18 : i32
      %add3A_126 = arith.addi %mul3A_16, %add3A_125 : i32
      %add3A_127 = vector.broadcast %add3A_126 : i32 to vector<16xi32>
      %add3A_128 = arith.addi %mul3A_9, %add3A_127 : vector<16xi32>
      %gather3A_129 = tpu.vector_load_idx %arg6[%add3A_128] : memref<13312xf32, #tpu.memory_space<vmem>>[vector<16xi32>], vector<16xf32>,
      %add3A_130 = arith.addf %add3A_124, %gather3A_129 : vector<16xf32>
      %add3A_131 = arith.constant 19 : i32
      %add3A_132 = arith.addi %mul3A_16, %add3A_131 : i32
      %add3A_133 = vector.broadcast %add3A_132 : i32 to vector<16xi32>
      %add3A_134 = arith.addi %mul3A_9, %add3A_133 : vector<16xi32>
      %gather3A_135 = tpu.vector_load_idx %arg6[%add3A_134] : memref<13312xf32, #tpu.memory_space<vmem>>[vector<16xi32>], vector<16xf32>,
      %add3A_136 = arith.addf %add3A_130, %gather3A_135 : vector<16xf32>
      %add3A_137 = arith.constant 20 : i32
      %add3A_138 = arith.addi %mul3A_16, %add3A_137 : i32
      %add3A_139 = vector.broadcast %add3A_138 : i32 to vector<16xi32>
      %add3A_140 = arith.addi %mul3A_9, %add3A_139 : vector<16xi32>
      %gather3A_141 = tpu.vector_load_idx %arg6[%add3A_140] : memref<13312xf32, #tpu.memory_space<vmem>>[vector<16xi32>], vector<16xf32>,
      %add3A_142 = arith.addf %add3A_136, %gather3A_141 : vector<16xf32>
      %add3A_143 = arith.constant 21 : i32
      %add3A_144 = arith.addi %mul3A_16, %add3A_143 : i32
      %add3A_145 = vector.broadcast %add3A_144 : i32 to vector<16xi32>
      %add3A_146 = arith.addi %mul3A_9, %add3A_145 : vector<16xi32>
      %gather3A_147 = tpu.vector_load_idx %arg6[%add3A_146] : memref<13312xf32, #tpu.memory_space<vmem>>[vector<16xi32>], vector<16xf32>,
      %add3A_148 = arith.addf %add3A_142, %gather3A_147 : vector<16xf32>
      %add3A_149 = arith.constant 22 : i32
      %add3A_150 = arith.addi %mul3A_16, %add3A_149 : i32
      %add3A_151 = vector.broadcast %add3A_150 : i32 to vector<16xi32>
      %add3A_152 = arith.addi %mul3A_9, %add3A_151 : vector<16xi32>
      %gather3A_153 = tpu.vector_load_idx %arg6[%add3A_152] : memref<13312xf32, #tpu.memory_space<vmem>>[vector<16xi32>], vector<16xf32>,
      %add3A_154 = arith.addf %add3A_148, %gather3A_153 : vector<16xf32>
      %add3A_155 = arith.constant 23 : i32
      %add3A_156 = arith.addi %mul3A_16, %add3A_155 : i32
      %add3A_157 = vector.broadcast %add3A_156 : i32 to vector<16xi32>
      %add3A_158 = arith.addi %mul3A_9, %add3A_157 : vector<16xi32>
      %gather3A_159 = tpu.vector_load_idx %arg6[%add3A_158] : memref<13312xf32, #tpu.memory_space<vmem>>[vector<16xi32>], vector<16xf32>,
      %add3A_160 = arith.addf %add3A_154, %gather3A_159 : vector<16xf32>
      %add3A_161 = arith.constant 24 : i32
      %add3A_162 = arith.addi %mul3A_16, %add3A_161 : i32
      %add3A_163 = vector.broadcast %add3A_162 : i32 to vector<16xi32>
      %add3A_164 = arith.addi %mul3A_9, %add3A_163 : vector<16xi32>
      %gather3A_165 = tpu.vector_load_idx %arg6[%add3A_164] : memref<13312xf32, #tpu.memory_space<vmem>>[vector<16xi32>], vector<16xf32>,
      %add3A_166 = arith.addf %add3A_160, %gather3A_165 : vector<16xf32>
      %add3A_167 = arith.constant 25 : i32
      %add3A_168 = arith.addi %mul3A_16, %add3A_167 : i32
      %add3A_169 = vector.broadcast %add3A_168 : i32 to vector<16xi32>
      %add3A_170 = arith.addi %mul3A_9, %add3A_169 : vector<16xi32>
      %gather3A_171 = tpu.vector_load_idx %arg6[%add3A_170] : memref<13312xf32, #tpu.memory_space<vmem>>[vector<16xi32>], vector<16xf32>,
      %add3A_172 = arith.addf %add3A_166, %gather3A_171 : vector<16xf32>
      %mul3A_173 = arith.constant 16 : i32
      %mul3A_174 = arith.muli %scan3A_14, %mul3A_173 : i32
      %swap3A = arith.index_cast %mul3A_174 : i32 to index
      %swap3A_175 = tpu.vector_load %arg7[%swap3A] {strides = array<i32>} : memref<512xf32, #tpu.memory_space<vmem>>, vector<16xf32>,
      tpu.vector_store %arg7[%swap3A], %add3A_172 {strides = array<i32>} : memref<512xf32, #tpu.memory_space<vmem>>, vector<16xf32>,
    }
    %scan3A_13 = arith.constant 32 : i32
    "tpu.region"() ({
      %run_scoped3A = tpu.sem_alloc : memref<!tpu.dma_semaphore, #tpu.memory_space<semaphore_mem>>
      %dma_start3A_14 = tpu.memref_slice %arg4[%mul3A_4] : memref<16384xf32, #tpu.memory_space<hbm>> -> memref<512xf32, #tpu.memory_space<hbm>>
      %dma_start3A_15 = tpu.memref_slice %arg4[%mul3A_4] : memref<16384xf32, #tpu.memory_space<hbm>> -> memref<512xf32, #tpu.memory_space<hbm>>
      tpu.enqueue_dma source(%arg7 : memref<512xf32, #tpu.memory_space<vmem>>) target(%dma_start3A_15 : memref<512xf32, #tpu.memory_space<hbm>>) target_semaphore(%run_scoped3A : memref<!tpu.dma_semaphore, #tpu.memory_space<semaphore_mem>>)
      %dma_wait3A_16 = tpu.memref_slice %arg4[%mul3A_4] : memref<16384xf32, #tpu.memory_space<hbm>> -> memref<512xf32, #tpu.memory_space<hbm>>
      %dma_wait3A_17 = tpu.memref_slice %arg4[%mul3A_4] : memref<16384xf32, #tpu.memory_space<hbm>> -> memref<512xf32, #tpu.memory_space<hbm>>
      tpu.wait_dma2 semaphore(%run_scoped3A : memref<!tpu.dma_semaphore, #tpu.memory_space<semaphore_mem>>) src(%arg7 : memref<512xf32, #tpu.memory_space<vmem>>) dst(%dma_wait3A_17 : memref<512xf32, #tpu.memory_space<hbm>>)
      tpu.yield
    }) : () -> ()
    return
  }
}

module attributes {stable_mosaic.version = 14 : i64} {
  func.func @_flatten_body(%arg0: i32, %arg1: memref<1x163840xf32, #tpu.memory_space<vmem>>, %arg2: memref<163840xf32, #tpu.memory_space<vmem>>) attributes {dimension_semantics = [#tpu.dimension_semantics<arbitrary>], iteration_bounds = array<i64: 16>, scalar_prefetch = 0 : i64, scratch_operands = 0 : i64, tpu.core_type = #tpu.core_type<tc>, window_params = [{transform_indices = @transform_0, window_bounds = array<i64: 1, 163840>}, {transform_indices = @transform_1, window_bounds = array<i64: 163840>}]} {
    %get3A = arith.constant 0 : index
    %get3A_0 = arith.constant 0 : index
    %get3A_1 = vector.load %arg1[%get3A, %get3A_0] : memref<1x163840xf32, #tpu.memory_space<vmem>>, vector<1x163840xf32>
    %get3A_2 = vector.shape_cast %get3A_1 : vector<1x163840xf32> to vector<163840xf32>
    %swap3A = arith.constant 0 : index
    %swap3A_3 = vector.load %arg2[%swap3A] : memref<163840xf32, #tpu.memory_space<vmem>>, vector<163840xf32>
    tpu.vector_store %arg2[%swap3A], %get3A_2 {strides = array<i32>} : memref<163840xf32, #tpu.memory_space<vmem>>, vector<163840xf32>,
    return
  }
  func.func @transform_0(%arg0: i32) -> (i32, i32) {
    %c0_i32 = arith.constant 0 : i32
    %c0_i32_0 = arith.constant 0 : i32
    return %c0_i32, %arg0 : i32, i32
  }
  func.func @transform_1(%arg0: i32) -> i32 {
    %c0_i32 = arith.constant 0 : i32
    return %arg0 : i32
  }
}

</mosaic_0001>

<sc_bundles>
// kernel: kernel.4.cloned.1.call-start
scs
__scs_entry_jumppad:
0x0: {  	(pc) =	sbr.rel $0x88, $3  }
0x1: {  	(tag) =	ssettag $0x0;
	lr =	simm.s32 $0x1  }
0x2: {  	[smem:$0x3F9E] =	sst lr;
	_ =	strace $0xD0000000  }
0x3: {  	_ = 	snop  }
0x4: {  	_ = 	snop  }
0x5: {  	_ = 	snop  }
0x6: {  	_ = 	snop  }
0x7: {  	_ = 	snop  }
__scs_overlays_trampoline_lowered:
0x8: {  	[smem:$0x3FAD] =	sst s0  }
0x9: {  	[smem:$0x3FAE] =	sst s1  }
0xa: {  	[smem:$0x3FAF] =	sst s2  }
0xb: {  	[smem:$0x3FB0] =	sst s3  }
0xc: {  	[smem:$0x3FB1] =	sst s4  }
0xd: {  	[smem:$0x3FB2] =	sst s5  }
0xe: {  	[smem:$0x3FB3] =	sst s6  }
0xf: {  	[smem:$0x3FB4] =	sst s7  }
0x10: {  	[smem:$0x3FB5] =	sst s8  }
0x11: {  	[smem:$0x3FB6] =	sst s9;
	s0 =	simm.s32 @!p0 $0x0  }
0x12: {  	s1 =	sld [smem:$0x3F9C];
	s0 =	simm.s32 @p0 $0x1  }
0x13: {  	[smem:$0x3FB7] =	sst s0;
	s0 =	simm.s32 @!p1 $0x0  }
0x14: {  	s2 =	sld [smem:$0x3F9B];
	s0 =	simm.s32 @p1 $0x1  }
0x15: {  	[smem:$0x3FB8] =	sst s0;
	s0 =	simm.s32 @!p2 $0x0  }
0x16: {  	s3 =	sld [smem:$0x3FDB];
	s0 =	simm.s32 @p2 $0x1  }
0x17: {  	s4 =	simm.s32 $0x1BF5;
	[smem:$0x3FBA] =	sst s0  }
0x18: {  	s0 =	sld [smem:$0x3F9D];
	_ =	swait.ge [sflag:s4], $0x0  }
0x19: {  	s7 =	sld [smem:$0x3F9E]  }
0x1a: {  	s8 =	sadd.s32 $0xFFFFE003, lr  }
0x1b: {  	s9 =	sadd.s32 $0xFFFFFEF7, lr;
	s5 =	simm.s32 $0xFFFFFFFF;
	p2 =	slt.u32 s8, $0xFFFFF086  }
0x1c: {  	p1 =	slt.u32 s9, $0xF7A;
	s5 =	simm.s32 @!p2 $0x0  }
0x1d: {  	s5 =	simm.s32 @p1 $0x1;
	p0 =	seq.s32 s7, s2  }
0x1e: {  	s7 =	smul.u32 @!p0 $0xF7A, s2;
	p2 =	seq.s32 @!p0 s5, $0x0  }
0x1f: {  	s9 =	smul.u32 $0xF7A, s1;
	s8 =	simm.s32 @!p0 $0x1BF5;
	p2 =	por !p2, p0  }
0x20: {  	[sflag:s8] =	ssyncset.s32 @!p0 $0xFFFFF086;
	s6 =	sadd.s32 @!p0 s3, s7;
	s7 =	simm.s32 @!p0 $0x108  }
0x21: {  	s3 =	sadd.s32 s3, s9;
	s6 =	sadd.s32 @!p0 $0x88, s6;
	s7 =	simm.s32 @p2 $0x1082  }
0x22: {  	[simem:s7], [sflag:s8] =	dma.local @!p0 [hbm:s6], $0xF7A  }
0x23: {  	s9 =	sor.u32 $0xD0000000, s2;
	s6 =	simm.s32 $0x108;
	_ =	swait.ge @!p0 [sflag:s8], $0x0  }
0x24: {  	s3 =	sadd.s32 $0x88, s3;
	s6 =	simm.s32 @!p1 $0x1082;
	[sflag:s4] =	ssyncset.s32 $0xFFFFF086  }
0x25: {  	[simem:s6], [sflag:s4] =	dma.local [hbm:s3], $0xF7A  }
0x26: {  	[smem:$0x3F9E] =	sst s1;
	(tag) =	ssettag s2;
	_ =	strace s9  }
0x27: {  	s1 =	sld [smem:$0x3FAE]  }
0x28: {  	s2 =	sld [smem:$0x3FAF]  }
0x29: {  	s4 =	sld [smem:$0x3FB1]  }
0x2a: {  	p0 =	seq.s32 s5, $0x0;
	s5 =	sld [smem:$0x3FB2]  }
0x2b: {  	s6 =	sld [smem:$0x3FB3]  }
0x2c: {  	s7 =	sld [smem:$0x3FB4]  }
0x2d: {  	s3 =	simm.s32 $0x108;
	s8 =	sld [smem:$0x3FB5]  }
0x2e: {  	s3 =	simm.s32 @!p0 $0x1082;
	s9 =	sld [smem:$0x3FB6]  }
0x2f: {  	lr =	sadd.s32 s0, s3;
	s0 =	sld [smem:$0x3FAD]  }
0x30: {  	s3 =	sld [smem:$0x3FB0]  }
0x31: {  	[smem:$0x3FB9] =	sst s10  }
0x32: {  	s10 =	sld [smem:$0x3FB7];
	_ =	sdelay $0x3  }
0x33: {  	p0 =	seq.s32 s10, $0x1;
	s10 =	sld [smem:$0x3FB9];
	_ =	sdelay $0x3  }
0x34: {  	[smem:$0x3FB9] =	sst s10  }
0x35: {  	s10 =	sld [smem:$0x3FB8];
	_ =	sdelay $0x3  }
0x36: {  	p1 =	seq.s32 s10, $0x1;
	s10 =	sld [smem:$0x3FB9];
	_ =	sdelay $0x3  }
0x37: {  	[smem:$0x3FB9] =	sst s10  }
0x38: {  	s10 =	sld [smem:$0x3FBA]  }
0x39: {  	_ = 	snop;
	(pc) =	sbr.ind lr, $3  }
0x3a: {  	_ = 	snop  }
0x3b: {  	_ = 	snop  }
0x3c: {  	p2 =	seq.s32 s10, $0x1;
	s10 =	sld [smem:$0x3FB9]  }
0x3d: {  	_ =	shalt  }
0x3e: {  	_ =	shalt  }
0x3f: {  	_ =	shalt  }
0x40: {  	_ =	shalt  }
0x41: {  	_ =	shalt  }
0x42: {  	_ =	shalt  }
0x43: {  	_ =	shalt  }
0x44: {  	_ =	shalt  }
0x45: {  	_ =	shalt  }
0x46: {  	_ =	shalt  }
0x47: {  	_ =	shalt  }
0x48: {  	_ =	shalt  }
0x49: {  	_ =	shalt  }
0x4a: {  	_ =	shalt  }
0x4b: {  	_ =	shalt  }
0x4c: {  	_ =	shalt  }
0x4d: {  	_ =	shalt  }
0x4e: {  	_ =	shalt  }
0x4f: {  	_ =	shalt  }
0x50: {  	_ =	shalt  }
0x51: {  	_ =	shalt  }
0x52: {  	_ =	shalt  }
0x53: {  	_ =	shalt  }
0x54: {  	_ =	shalt  }
0x55: {  	_ =	shalt  }
0x56: {  	_ =	shalt  }
0x57: {  	_ =	shalt  }
0x58: {  	_ =	shalt  }
0x59: {  	_ =	shalt  }
0x5a: {  	_ =	shalt  }
0x5b: {  	_ =	shalt  }
0x5c: {  	_ =	shalt  }
0x5d: {  	_ =	shalt  }
0x5e: {  	_ =	shalt  }
0x5f: {  	_ =	shalt  }
0x60: {  	_ =	shalt  }
0x61: {  	_ =	shalt  }
0x62: {  	_ =	shalt  }
0x63: {  	_ =	shalt  }
0x64: {  	_ =	shalt  }
0x65: {  	_ =	shalt  }
0x66: {  	_ =	shalt  }
0x67: {  	_ =	shalt  }
0x68: {  	_ =	shalt  }
0x69: {  	_ =	shalt  }
0x6a: {  	_ =	shalt  }
0x6b: {  	_ =	shalt  }
0x6c: {  	_ =	shalt  }
0x6d: {  	_ =	shalt  }
0x6e: {  	_ =	shalt  }
0x6f: {  	_ =	shalt  }
0x70: {  	_ =	shalt  }
0x71: {  	_ =	shalt  }
0x72: {  	_ =	shalt  }
0x73: {  	_ =	shalt  }
0x74: {  	_ =	shalt  }
0x75: {  	_ =	shalt  }
0x76: {  	_ =	shalt  }
0x77: {  	_ =	shalt  }
0x78: {  	_ =	shalt  }
0x79: {  	_ =	shalt  }
0x7a: {  	_ =	shalt  }
0x7b: {  	_ =	shalt  }
0x7c: {  	_ =	shalt  }
0x7d: {  	_ =	shalt  }
0x7e: {  	_ =	shalt  }
0x7f: {  	_ =	shalt  }
0x80: {  	_ =	shalt  }
0x81: {  	_ =	shalt  }
0x82: {  	_ =	shalt  }
0x83: {  	_ =	shalt  }
0x84: {  	_ =	shalt  }
0x85: {  	_ =	shalt  }
0x86: {  	_ =	shalt  }
0x87: {  	_ =	shalt  }
.Lfunc_end0:
.L_simem_size_0:
called_computation_lowered:
.L_overlay_start_0:
0x88: {  	s2 =	sld [smem:$0x3FD9]  }
0x89: {  	s3 =	sld [smem:$0x3FFE];
	_ =	sdelay $0x1  }
0x8a: {  	s1 =	srdreg.scid  }
0x8b: {  	s0 =	sand.u32 $0x1, s1  }
0x8c: {  	s17 =	sshll.u32 s0, $0xA;
	s2 =	sadd.s32 s3, s2  }
0x8d: {  	s2 =	sadd.s32 s2, s17  }
0x8e: {  	[smem:$0x3FC5] =	sst s2  }
0x8f: {  	_ = 	snop  }
0x90: {  	s2 =	sld [smem:$0x3FD0];
	(tm) =	ssettm $0x1  }
0x91: {  	s18 =	sld [smem:$0x3FFB];
	_ =	sdelay $0x3  }
0x92: {  	_ =	strace s18  }
0x93: {  	s3 =	sld [smem:$0x3FFC];
	_ =	sdelay $0x3  }
0x94: {  	_ =	strace s3  }
0x95: {  	s3 =	sld [smem:$0x3FFD];
	_ =	sdelay $0x3  }
0x96: {  	_ =	strace s3  }
0x97: {  	_ =	strace $0x8FFFFFFF  }
0x98: {  	s19 =	sld [smem:$0x3FDB];
	_ =	sdelay $0x1  }
0x99: {  	s4 =	simm.s32 $_scs_section_size  }
0x9a: {  	s5 =	simm.s32 $_size__tile_overlayer_lowered;
	s6 =	simm.s32 $_tile_overlayer_lowered  }
0x9b: {  	s22 =	simm.s32 $0x1BFF;
	s21 =	sshll.u32 s6, $0x1;
	s3 =	sadd.s32 s4, s19  }
0x9c: {  	s7 =	simm.s32 $0x0;
	s20 =	sshll.u32 s5, $0x1;
	s5 =	sadd.s32 s21, s3  }
0x9d: {  	[timem:s7], [sflag:s22] =	dma.local [hbm:s5], s20  }
0x9e: {  	_ =	swait.ge [sflag:s22], s20  }
0x9f: {  	s4 =	ssub.s32 $0x0, s20;
	[sflag:s22] =	ssyncset.done $0x0  }
0xa0: {  	[sflag:s22] =	ssyncadd.s32 s4;
	_ =	sdelay $0x1  }
0xa1: {  	s23 =	simm.s32 $0x1B8B  }
0xa2: {  	_ =	swait.ge [sflag:s23], $0x1  }
0xa3: {  	[sflag:s23] =	ssyncset.done $0x0  }
0xa4: {  	s25 =	simm.s32 $0x1B8E;
	s24 =	sld [smem:$0x3FFE];
	[sflag:s23] =	ssyncadd.s32 $0xFFFFFFFF  }
0xa5: {  	s26 =	simm.s32 $execute0_lowered;
	[smem:$0x3FD2] =	sst s25  }
0xa6: {  	s5 =	sshll.u32 s26, $0x1;
	_ =	strace $0x80000046;
	[dreg:$0x1] =	wrdreg $0xFFFFFFFF  }
0xa7: {  	s28 =	simm.s32 $_size_execute0_lowered;
	s3 =	sadd.s32 s3, s5;
	[dreg:$0x0] =	wrdreg $0x0  }
0xa8: {  	s5 =	sshll.u32 s28, $0x1;
	[dreg:$0x2] =	wrdreg s3  }
0xa9: {  	[dreg:$0x3] =	wrdreg s5  }
0xaa: {  	[dreg:$0x4] =	wrdreg $0xC0  }
0xab: {  	_ =	task [dreg:s7], $0x5FFFF  }
0xac: {  	[dreg:$0x1] =	wrdreg $0xFFFFFFFF  }
0xad: {  	[dreg:$0x0] =	wrdreg $0x60  }
0xae: {  	[dreg:$0x2] =	wrdreg s24  }
0xaf: {  	[dreg:$0x3] =	wrdreg s2  }
0xb0: {  	[dreg:$0x4] =	wrdreg $0x9  }
0xb1: {  	_ =	task.clear_ibuf [dreg:s7], $0x5FFFF;
	_ =	strace $0x90000046  }
0xb2: {  	s29 =	simm.s32 $0x9;
	_ =	strace $0x80000048  }
0xb3: {  	_ =	swait.ge [sflag:s29], $0x1  }
0xb4: {  	[sflag:s29] =	ssyncadd.s32 $0xFFFFFFFF  }
0xb5: {  	_ =	strace $0x90000048  }
0xb6: {  	_ =	sfence  }
0xb7: {  	s30 =	sld [smem:$0x0];
	_ =	sdelay $0x2  }
0xb8: {  	s31 =	sshll.u32 s1, $0xD;
	s1 =	sshrl.u32 s1, $0x2  }
0xb9: {  	s3 =	sand.u32 $0x4000, s31;
	s1 =	sadd.s32 s1, s30  }
0xba: {  	s0 =	sor.u32 s3, s0;
	s1 =	sshll.u32 s1, $0x11  }
0xbb: {  	s0 =	sor.u32 s1, s0  }
0xbc: {  	s0 =	sadd.s32 $0x8F2B, s0  }
0xbd: {  	[sflag:s0] =	ssyncadd.remote.s32 $0x1  }
0xbe: {  	_ =	sfence.sel $0xFFFF  }
0xbf: {  	[dreg:$0x0] =	wrdreg $0xFFFFFFFF;
	(pc) =	sbr.abs _section_cstart, $3  }
0xc0: {  	[dreg:$0x1] =	wrdreg $0xFFFFFFFF  }
0xc1: {  	_ =	task.clear_ibuf [dreg:s7], $0x2FFFF;
	_ =	strace $0x9FFFFFFF  }
0xc2: {  	(tm) =	ssettm $0x7FFFFFFF  }
0xc3: {  	_ =	shalt  }
tec
execute0_lowered:
.L_overlay_start_1:
0x0: {  	(tag) =	ssettag $0x1  }
0x1: {  	s1 =	srdreg.scid;
	s3 =	rddreg [dreg:$0x0]  }
0x2: {  	s0 =	stileid.u32;
	s5 =	rddreg [dreg:$0x1];
	s2 =	simm.s32 $0x0  }
0x3: {  	s9 =	simm.s32 $0x1;
	s10 =	simm.s32 $0x6800;
	s11 =	simm.s32 $0x0  }
0x4: {  	s4 =	sand.u32 $0x1, s1;
	s31 =	sshll.u32 s0, $0x1;
	s1 =	rddreg [dreg:$0x2]  }
0x5: {  	[smem:$0x7FF] =	sst s2;
	s6 =	sor.u32 s4, s31;
	s4 =	ssub.s32 $0x2, s4  }
0x6: {  	s7 =	smul.u32 $0x680, s6;
	s8 =	sshrl.u32 s4, $0x1;
	s6 =	sshll.u32 s6, $0x6  }
0x7: {  	v0 =	vlaneseq.u32;
	_ =	strace $0x80000047;
	s8 =	ssub.s32 s4, s8;
	s5 =	sadd.s32 s5, s6  }
0x8: {  	v0 =	vmul.u32 $0x1A, v0;
	s7 =	sadd.s32 s7, s3;
	s3 =	sadd.s32 $0xE200, s3;
	s6 =	smax.u32 s8, $0x1  }
0x9: {  	s8 =	simm.s32 $0x3400;
	s4 =	sadd.s32 $0x1200, s7;
	s7 =	simm.s32 $0x2  }
.LBB2_1:
0xa: {  	[tilespmem:s2], [sflag:$0x2] =	stream.linear.gather [hbm4b:s4+s2], $0x3400, $0x38;
	[tilespmem:$0x6A00] =	vst v63  }
0xb: {  	_ =	swait.ge [sflag:s7], $0x3400  }
0xc: {  	s12 =	simm.s32 $0x0;
	[sflag:s7] =	ssyncset.done $0x0  }
0xd: {  	s17 =	simm.s32 $0x1;
	v1 =	vadd.s32 s12, v0;
	[sflag:s7] =	ssyncadd.s32 $0xFFFFCC00  }
0xe: {  	[tilespmem:s8], [sflag:$0x1] =	stream.indirect.gather [hbm4b:s3+s8], $0x1, s2, s8, $0xb8;
	[tilespmem:$0x6A00] =	vst v63  }
0xf: {  	v2 =	vadd.s32 s17, v0;
	_ =	swait.ge [sflag:s9], $0x3400  }
0x10: {  	s18 =	simm.s32 $0x2;
	[sflag:s9] =	ssyncset.done $0x0  }
0x11: {  	v3 =	vadd.s32 s18, v0;
	[sflag:s9] =	ssyncadd.s32 $0xFFFFCC00  }
0x12: {  	s19 =	simm.s32 $0x3;
	v1 =	vld.idx.msk [tilespmem:v1+s8+$0x0], $0xffff  }
0x13: {  	v4 =	vadd.s32 s19, v0  }
0x14: {  	s20 =	simm.s32 $0x4;
	v2 =	vld.idx.msk [tilespmem:v2+s8+$0x0], $0xffff  }
0x15: {  	v5 =	vadd.s32 s20, v0  }
0x16: {  	s21 =	simm.s32 $0x5;
	v3 =	vld.idx.msk [tilespmem:v3+s8+$0x0], $0xffff  }
0x17: {  	v6 =	vadd.s32 s21, v0;
	v1 =	vadd.f32 $0.0e+00, v1  }
0x18: {  	s22 =	simm.s32 $0x6;
	v4 =	vld.idx.msk [tilespmem:v4+s8+$0x0], $0xffff  }
0x19: {  	v7 =	vadd.s32 s22, v0;
	v1 =	vadd.f32 v2, v1  }
0x1a: {  	s23 =	simm.s32 $0x7;
	v2 =	vld.idx.msk [tilespmem:v5+s8+$0x0], $0xffff  }
0x1b: {  	v5 =	vadd.s32 s23, v0;
	v1 =	vadd.f32 v3, v1  }
0x1c: {  	s24 =	simm.s32 $0x8;
	v3 =	vld.idx.msk [tilespmem:v6+s8+$0x0], $0xffff  }
0x1d: {  	v38 =	vadd.s32 s24, v0;
	v1 =	vadd.f32 v4, v1  }
0x1e: {  	s25 =	simm.s32 $0x9;
	v4 =	vld.idx.msk [tilespmem:v7+s8+$0x0], $0xffff  }
0x1f: {  	v39 =	vadd.s32 s25, v0;
	v1 =	vadd.f32 v2, v1  }
0x20: {  	s26 =	simm.s32 $0xA;
	v2 =	vld.idx.msk [tilespmem:v5+s8+$0x0], $0xffff  }
0x21: {  	v5 =	vadd.s32 s26, v0;
	v1 =	vadd.f32 v3, v1  }
0x22: {  	s28 =	simm.s32 $0xB;
	v3 =	vld.idx.msk [tilespmem:v38+s8+$0x0], $0xffff  }
0x23: {  	v40 =	vadd.s32 s28, v0;
	v1 =	vadd.f32 v4, v1  }
0x24: {  	s29 =	simm.s32 $0xC;
	v4 =	vld.idx.msk [tilespmem:v39+s8+$0x0], $0xffff  }
0x25: {  	v41 =	vadd.s32 s29, v0;
	v1 =	vadd.f32 v2, v1  }
0x26: {  	s30 =	simm.s32 $0xD;
	v2 =	vld.idx.msk [tilespmem:v5+s8+$0x0], $0xffff  }
0x27: {  	v5 =	vadd.s32 s30, v0;
	v1 =	vadd.f32 v3, v1  }
0x28: {  	s31 =	simm.s32 $0xE;
	v3 =	vld.idx.msk [tilespmem:v40+s8+$0x0], $0xffff  }
0x29: {  	v42 =	vadd.s32 s31, v0;
	v1 =	vadd.f32 v4, v1  }
0x2a: {  	s13 =	simm.s32 $0xF;
	v4 =	vld.idx.msk [tilespmem:v41+s8+$0x0], $0xffff  }
0x2b: {  	v43 =	vadd.s32 s13, v0;
	v1 =	vadd.f32 v2, v1  }
0x2c: {  	s14 =	simm.s32 $0x10;
	v2 =	vld.idx.msk [tilespmem:v5+s8+$0x0], $0xffff  }
0x2d: {  	v5 =	vadd.s32 s14, v0;
	v1 =	vadd.f32 v3, v1  }
0x2e: {  	s15 =	simm.s32 $0x11;
	v3 =	vld.idx.msk [tilespmem:v42+s8+$0x0], $0xffff  }
0x2f: {  	v44 =	vadd.s32 s15, v0;
	v1 =	vadd.f32 v4, v1  }
0x30: {  	s16 =	simm.s32 $0x12;
	v4 =	vld.idx.msk [tilespmem:v43+s8+$0x0], $0xffff  }
0x31: {  	v45 =	vadd.s32 s16, v0;
	v1 =	vadd.f32 v2, v1  }
0x32: {  	s17 =	simm.s32 $0x13;
	v2 =	vld.idx.msk [tilespmem:v5+s8+$0x0], $0xffff  }
0x33: {  	v5 =	vadd.s32 s17, v0;
	v1 =	vadd.f32 v3, v1  }
0x34: {  	s18 =	simm.s32 $0x14;
	v3 =	vld.idx.msk [tilespmem:v44+s8+$0x0], $0xffff  }
0x35: {  	v46 =	vadd.s32 s18, v0;
	v1 =	vadd.f32 v4, v1  }
0x36: {  	s19 =	simm.s32 $0x15;
	v4 =	vld.idx.msk [tilespmem:v45+s8+$0x0], $0xffff  }
0x37: {  	v47 =	vadd.s32 s19, v0;
	v1 =	vadd.f32 v2, v1  }
0x38: {  	s20 =	simm.s32 $0x16;
	v2 =	vld.idx.msk [tilespmem:v5+s8+$0x0], $0xffff  }
0x39: {  	v5 =	vadd.s32 s20, v0;
	v1 =	vadd.f32 v3, v1  }
0x3a: {  	s21 =	simm.s32 $0x17;
	v3 =	vld.idx.msk [tilespmem:v46+s8+$0x0], $0xffff  }
0x3b: {  	v48 =	vadd.s32 s21, v0;
	v1 =	vadd.f32 v4, v1  }
0x3c: {  	s22 =	simm.s32 $0x18;
	v4 =	vld.idx.msk [tilespmem:v47+s8+$0x0], $0xffff  }
0x3d: {  	v49 =	vadd.s32 s22, v0;
	v1 =	vadd.f32 v2, v1  }
0x3e: {  	s23 =	simm.s32 $0x19;
	v2 =	vld.idx.msk [tilespmem:v5+s8+$0x0], $0xffff  }
0x3f: {  	v5 =	vadd.s32 s23, v0;
	v1 =	vadd.f32 v3, v1  }
0x40: {  	v3 =	vld.idx.msk [tilespmem:v48+s8+$0x0], $0xffff  }
0x41: {  	v1 =	vadd.f32 v4, v1  }
0x42: {  	v4 =	vld.idx.msk [tilespmem:v49+s8+$0x0], $0xffff  }
0x43: {  	v1 =	vadd.f32 v2, v1  }
0x44: {  	v2 =	vld.idx.msk [tilespmem:v5+s8+$0x0], $0xffff  }
0x45: {  	v1 =	vadd.f32 v3, v1  }
0x46: {  	s24 =	simm.s32 $0x1A0  }
0x47: {  	v3 =	vadd.s32 s24, v0;
	v1 =	vadd.f32 v4, v1  }
0x48: {  	s25 =	simm.s32 $0x1A1  }
0x49: {  	v4 =	vadd.s32 s25, v0;
	v1 =	vadd.f32 v2, v1  }
0x4a: {  	s26 =	simm.s32 $0x1A2  }
0x4b: {  	v2 =	vadd.s32 s26, v0;
	[tilespmem:s10+$0x0] =	vst v1  }
0x4c: {  	s28 =	simm.s32 $0x1A3;
	v1 =	vld.idx.msk [tilespmem:v3+s8+$0x0], $0xffff  }
0x4d: {  	v3 =	vadd.s32 s28, v0  }
0x4e: {  	s29 =	simm.s32 $0x1A4;
	v4 =	vld.idx.msk [tilespmem:v4+s8+$0x0], $0xffff  }
0x4f: {  	v5 =	vadd.s32 s29, v0  }
0x50: {  	s30 =	simm.s32 $0x1A5;
	v2 =	vld.idx.msk [tilespmem:v2+s8+$0x0], $0xffff  }
0x51: {  	v50 =	vadd.s32 s30, v0;
	v1 =	vadd.f32 $0.0e+00, v1  }
0x52: {  	s31 =	simm.s32 $0x1A6;
	v3 =	vld.idx.msk [tilespmem:v3+s8+$0x0], $0xffff  }
0x53: {  	v51 =	vadd.s32 s31, v0;
	v1 =	vadd.f32 v4, v1  }
0x54: {  	s13 =	simm.s32 $0x1A7;
	v4 =	vld.idx.msk [tilespmem:v5+s8+$0x0], $0xffff  }
0x55: {  	v5 =	vadd.s32 s13, v0;
	v1 =	vadd.f32 v2, v1  }
0x56: {  	s14 =	simm.s32 $0x1A8;
	v2 =	vld.idx.msk [tilespmem:v50+s8+$0x0], $0xffff  }
0x57: {  	v52 =	vadd.s32 s14, v0;
	v1 =	vadd.f32 v3, v1  }
0x58: {  	s15 =	simm.s32 $0x1A9;
	v3 =	vld.idx.msk [tilespmem:v51+s8+$0x0], $0xffff  }
0x59: {  	v53 =	vadd.s32 s15, v0;
	v1 =	vadd.f32 v4, v1  }
0x5a: {  	s16 =	simm.s32 $0x1AA;
	v4 =	vld.idx.msk [tilespmem:v5+s8+$0x0], $0xffff  }
0x5b: {  	v5 =	vadd.s32 s16, v0;
	v1 =	vadd.f32 v2, v1  }
0x5c: {  	s17 =	simm.s32 $0x1AB;
	v2 =	vld.idx.msk [tilespmem:v52+s8+$0x0], $0xffff  }
0x5d: {  	v54 =	vadd.s32 s17, v0;
	v1 =	vadd.f32 v3, v1  }
0x5e: {  	s18 =	simm.s32 $0x1AC;
	v3 =	vld.idx.msk [tilespmem:v53+s8+$0x0], $0xffff  }
0x5f: {  	v55 =	vadd.s32 s18, v0;
	v1 =	vadd.f32 v4, v1  }
0x60: {  	s19 =	simm.s32 $0x1AD;
	v4 =	vld.idx.msk [tilespmem:v5+s8+$0x0], $0xffff  }
0x61: {  	v5 =	vadd.s32 s19, v0;
	v1 =	vadd.f32 v2, v1  }
0x62: {  	s20 =	simm.s32 $0x1AE;
	v2 =	vld.idx.msk [tilespmem:v54+s8+$0x0], $0xffff  }
0x63: {  	v56 =	vadd.s32 s20, v0;
	v1 =	vadd.f32 v3, v1  }
0x64: {  	s21 =	simm.s32 $0x1AF;
	v3 =	vld.idx.msk [tilespmem:v55+s8+$0x0], $0xffff  }
0x65: {  	v57 =	vadd.s32 s21, v0;
	v1 =	vadd.f32 v4, v1  }
0x66: {  	s22 =	simm.s32 $0x1B0;
	v4 =	vld.idx.msk [tilespmem:v5+s8+$0x0], $0xffff  }
0x67: {  	v5 =	vadd.s32 s22, v0;
	v1 =	vadd.f32 v2, v1  }
0x68: {  	s23 =	simm.s32 $0x1B1;
	v2 =	vld.idx.msk [tilespmem:v56+s8+$0x0], $0xffff  }
0x69: {  	v58 =	vadd.s32 s23, v0;
	v1 =	vadd.f32 v3, v1  }
0x6a: {  	s24 =	simm.s32 $0x1B2;
	v3 =	vld.idx.msk [tilespmem:v57+s8+$0x0], $0xffff  }
0x6b: {  	v59 =	vadd.s32 s24, v0;
	v1 =	vadd.f32 v4, v1  }
0x6c: {  	s25 =	simm.s32 $0x1B3;
	v4 =	vld.idx.msk [tilespmem:v5+s8+$0x0], $0xffff  }
0x6d: {  	v5 =	vadd.s32 s25, v0;
	v1 =	vadd.f32 v2, v1  }
0x6e: {  	s26 =	simm.s32 $0x1B4;
	v2 =	vld.idx.msk [tilespmem:v58+s8+$0x0], $0xffff  }
0x6f: {  	v60 =	vadd.s32 s26, v0;
	v1 =	vadd.f32 v3, v1  }
0x70: {  	s28 =	simm.s32 $0x1B5;
	v3 =	vld.idx.msk [tilespmem:v59+s8+$0x0], $0xffff  }
0x71: {  	s29 =	simm.s32 $0x1B6;
	v61 =	vadd.s32 s28, v0;
	v1 =	vadd.f32 v4, v1  }
0x72: {  	v4 =	vld.idx.msk [tilespmem:v5+s8+$0x0], $0xffff;
	v5 =	vadd.s32 s29, v0  }
0x73: {  	v1 =	vadd.f32 v2, v1  }
0x74: {  	s30 =	simm.s32 $0x1B7;
	v2 =	vld.idx.msk [tilespmem:v60+s8+$0x0], $0xffff  }
0x75: {  	v62 =	vadd.s32 s30, v0;
	v1 =	vadd.f32 v3, v1  }
0x76: {  	s31 =	simm.s32 $0x1B8;
	v3 =	vld.idx.msk [tilespmem:v61+s8+$0x0], $0xffff  }
0x77: {  	v1 =	vadd.f32 v4, v1;
	v4 =	vld.idx.msk [tilespmem:v5+s8+$0x0], $0xffff;
	v5 =	vadd.s32 s31, v0  }
0x78: {  	s13 =	simm.s32 $0x1B9  }
0x79: {  	v63 =	vadd.s32 s13, v0;
	v1 =	vadd.f32 v2, v1  }
0x7a: {  	v6 =	vld.idx.msk [tilespmem:v62+s8+$0x0], $0xffff  }
0x7b: {  	v1 =	vadd.f32 v3, v1  }
0x7c: {  	v2 =	vld.idx.msk [tilespmem:v5+s8+$0x0], $0xffff  }
0x7d: {  	v3 =	vadd.f32 v4, v1  }
0x7e: {  	v1 =	vld.idx.msk [tilespmem:v63+s8+$0x0], $0xffff  }
0x7f: {  	s12 =	simm.s32 $0x359;
	v3 =	vadd.f32 v6, v3  }
0x80: {  	s15 =	simm.s32 $0x340;
	s14 =	simm.s32 $0x4F9;
	s13 =	simm.s32 $0x6800  }
.LBB2_2:
0x81: {  	p0 =	sne.s32 s14, $0x3279;
	v4 =	vadd.s32 s15, v0;
	v2 =	vadd.f32 v2, v3  }
0x82: {  	s15 =	sadd.s32 $0xFFFFFFE8, s12  }
0x83: {  	v3 =	vadd.s32 s15, v0;
	v1 =	vadd.f32 v1, v2  }
0x84: {  	s13 =	sadd.s32 $0x10, s13;
	s15 =	sadd.s32 $0xFFFFFFE9, s12  }
0x85: {  	v2 =	vadd.s32 s15, v0;
	[tilespmem:s13+$0x0] =	vst v1  }
0x86: {  	s15 =	sadd.s32 $0xFFFFFFEA, s12;
	v1 =	vld.idx.msk [tilespmem:v4+s8+$0x0], $0xffff  }
0x87: {  	v4 =	vadd.s32 s15, v0  }
0x88: {  	s15 =	sadd.s32 $0xFFFFFFEB, s12;
	v3 =	vld.idx.msk [tilespmem:v3+s8+$0x0], $0xffff  }
0x89: {  	v5 =	vadd.s32 s15, v0  }
0x8a: {  	s15 =	sadd.s32 $0xFFFFFFEC, s12;
	v2 =	vld.idx.msk [tilespmem:v2+s8+$0x0], $0xffff  }
0x8b: {  	v6 =	vadd.s32 s15, v0  }
0x8c: {  	s15 =	sadd.s32 $0xFFFFFFED, s12;
	v1 =	vadd.f32 $0.0e+00, v1;
	v4 =	vld.idx.msk [tilespmem:v4+s8+$0x0], $0xffff  }
0x8d: {  	v7 =	vadd.s32 s15, v0  }
0x8e: {  	s15 =	sadd.s32 $0xFFFFFFEE, s12;
	v1 =	vadd.f32 v3, v1;
	v3 =	vld.idx.msk [tilespmem:v5+s8+$0x0], $0xffff  }
0x8f: {  	v5 =	vadd.s32 s15, v0  }
0x90: {  	s15 =	sadd.s32 $0xFFFFFFEF, s12;
	v1 =	vadd.f32 v2, v1;
	v2 =	vld.idx.msk [tilespmem:v6+s8+$0x0], $0xffff  }
0x91: {  	v6 =	vadd.s32 s15, v0  }
0x92: {  	s15 =	sadd.s32 $0xFFFFFFF0, s12;
	v1 =	vadd.f32 v4, v1;
	v4 =	vld.idx.msk [tilespmem:v7+s8+$0x0], $0xffff  }
0x93: {  	v7 =	vadd.s32 s15, v0  }
0x94: {  	s15 =	sadd.s32 $0xFFFFFFF1, s12;
	v1 =	vadd.f32 v3, v1;
	v3 =	vld.idx.msk [tilespmem:v5+s8+$0x0], $0xffff  }
0x95: {  	v5 =	vadd.s32 s15, v0  }
0x96: {  	s15 =	sadd.s32 $0xFFFFFFF2, s12;
	v1 =	vadd.f32 v2, v1;
	v2 =	vld.idx.msk [tilespmem:v6+s8+$0x0], $0xffff  }
0x97: {  	v6 =	vadd.s32 s15, v0  }
0x98: {  	s15 =	sadd.s32 $0xFFFFFFF3, s12;
	v1 =	vadd.f32 v4, v1;
	v4 =	vld.idx.msk [tilespmem:v7+s8+$0x0], $0xffff  }
0x99: {  	v7 =	vadd.s32 s15, v0  }
0x9a: {  	s15 =	sadd.s32 $0xFFFFFFF4, s12;
	v1 =	vadd.f32 v3, v1;
	v3 =	vld.idx.msk [tilespmem:v5+s8+$0x0], $0xffff  }
0x9b: {  	v5 =	vadd.s32 s15, v0  }
0x9c: {  	s15 =	sadd.s32 $0xFFFFFFF5, s12;
	v1 =	vadd.f32 v2, v1;
	v2 =	vld.idx.msk [tilespmem:v6+s8+$0x0], $0xffff  }
0x9d: {  	v6 =	vadd.s32 s15, v0  }
0x9e: {  	s15 =	sadd.s32 $0xFFFFFFF6, s12;
	v1 =	vadd.f32 v4, v1;
	v4 =	vld.idx.msk [tilespmem:v7+s8+$0x0], $0xffff  }
0x9f: {  	v7 =	vadd.s32 s15, v0  }
0xa0: {  	s15 =	sadd.s32 $0xFFFFFFF7, s12;
	v1 =	vadd.f32 v3, v1;
	v3 =	vld.idx.msk [tilespmem:v5+s8+$0x0], $0xffff  }
0xa1: {  	v5 =	vadd.s32 s15, v0  }
0xa2: {  	s15 =	sadd.s32 $0xFFFFFFF8, s12;
	v1 =	vadd.f32 v2, v1;
	v2 =	vld.idx.msk [tilespmem:v6+s8+$0x0], $0xffff  }
0xa3: {  	v6 =	vadd.s32 s15, v0  }
0xa4: {  	s15 =	sadd.s32 $0xFFFFFFF9, s12;
	v1 =	vadd.f32 v4, v1;
	v4 =	vld.idx.msk [tilespmem:v7+s8+$0x0], $0xffff  }
0xa5: {  	v7 =	vadd.s32 s15, v0  }
0xa6: {  	s15 =	sadd.s32 $0xFFFFFFFA, s12;
	v1 =	vadd.f32 v3, v1;
	v3 =	vld.idx.msk [tilespmem:v5+s8+$0x0], $0xffff  }
0xa7: {  	v5 =	vadd.s32 s15, v0  }
0xa8: {  	s15 =	sadd.s32 $0xFFFFFFFB, s12;
	v1 =	vadd.f32 v2, v1;
	v2 =	vld.idx.msk [tilespmem:v6+s8+$0x0], $0xffff  }
0xa9: {  	v6 =	vadd.s32 s15, v0  }
0xaa: {  	s15 =	sadd.s32 $0xFFFFFFFC, s12;
	v1 =	vadd.f32 v4, v1;
	v4 =	vld.idx.msk [tilespmem:v7+s8+$0x0], $0xffff  }
0xab: {  	v7 =	vadd.s32 s15, v0  }
0xac: {  	s15 =	sadd.s32 $0xFFFFFFFD, s12;
	v1 =	vadd.f32 v3, v1;
	v3 =	vld.idx.msk [tilespmem:v5+s8+$0x0], $0xffff  }
0xad: {  	v5 =	vadd.s32 s15, v0  }
0xae: {  	s15 =	sadd.s32 $0xFFFFFFFE, s12;
	v1 =	vadd.f32 v2, v1;
	v2 =	vld.idx.msk [tilespmem:v6+s8+$0x0], $0xffff  }
0xaf: {  	v6 =	vadd.s32 s15, v0  }
0xb0: {  	s15 =	sadd.s32 $0xFFFFFFFF, s12;
	v1 =	vadd.f32 v4, v1;
	v4 =	vld.idx.msk [tilespmem:v7+s8+$0x0], $0xffff  }
0xb1: {  	v7 =	vadd.s32 s15, v0  }
0xb2: {  	v1 =	vadd.f32 v3, v1;
	v3 =	vld.idx.msk [tilespmem:v5+s8+$0x0], $0xffff  }
0xb3: {  	v5 =	vadd.s32 s12, v0;
	s12 =	smov.u32 s14  }
0xb4: {  	v1 =	vadd.f32 v2, v1;
	v6 =	vld.idx.msk [tilespmem:v6+s8+$0x0], $0xffff;
	_ =	sdelay $0x1  }
0xb5: {  	v1 =	vadd.f32 v4, v1;
	v2 =	vld.idx.msk [tilespmem:v7+s8+$0x0], $0xffff  }
.Ltmp0:
0xb6: {  	(pc) =	sbr.rel @p0 .LBB2_2-.Ltmp0, $3  }
0xb7: {  	v3 =	vadd.f32 v3, v1;
	v1 =	vld.idx.msk [tilespmem:v5+s8+$0x0], $0xffff;
	_ =	sdelay $0x1  }
0xb8: {  	v3 =	vadd.f32 v6, v3  }
0xb9: {  	s14 =	sadd.s32 $0x1A0, s14;
	s15 =	sadd.s32 $0xFFFFFFE7, s12  }
0xba: {  	v4 =	vadd.s32 s15, v0;
	v2 =	vadd.f32 v2, v3  }
0xbb: {  	s14 =	sadd.s32 $0xFFFFFFE8, s12  }
0xbc: {  	v3 =	vadd.s32 s14, v0;
	v1 =	vadd.f32 v1, v2  }
0xbd: {  	s23 =	sadd.s32 $0xFFFFFFE9, s12;
	s13 =	sadd.s32 $0x10, s13  }
0xbe: {  	v2 =	vadd.s32 s23, v0;
	[tilespmem:s13+$0x0] =	vst v1  }
0xbf: {  	s24 =	sadd.s32 $0xFFFFFFEA, s12;
	v1 =	vld.idx.msk [tilespmem:v4+s8+$0x0], $0xffff  }
0xc0: {  	v37 =	vadd.s32 s24, v0  }
0xc1: {  	s25 =	sadd.s32 $0xFFFFFFEB, s12;
	v3 =	vld.idx.msk [tilespmem:v3+s8+$0x0], $0xffff  }
0xc2: {  	v5 =	vadd.s32 s25, v0  }
0xc3: {  	s26 =	sadd.s32 $0xFFFFFFEC, s12;
	v2 =	vld.idx.msk [tilespmem:v2+s8+$0x0], $0xffff  }
0xc4: {  	v6 =	vadd.s32 s26, v0;
	v1 =	vadd.f32 $0.0e+00, v1  }
0xc5: {  	s28 =	sadd.s32 $0xFFFFFFED, s12;
	v4 =	vld.idx.msk [tilespmem:v37+s8+$0x0], $0xffff  }
0xc6: {  	v7 =	vadd.s32 s28, v0;
	v1 =	vadd.f32 v3, v1  }
0xc7: {  	s29 =	sadd.s32 $0xFFFFFFEE, s12;
	v3 =	vld.idx.msk [tilespmem:v5+s8+$0x0], $0xffff  }
0xc8: {  	v38 =	vadd.s32 s29, v0;
	v1 =	vadd.f32 v2, v1  }
0xc9: {  	s30 =	sadd.s32 $0xFFFFFFEF, s12;
	v2 =	vld.idx.msk [tilespmem:v6+s8+$0x0], $0xffff  }
0xca: {  	v39 =	vadd.s32 s30, v0;
	v1 =	vadd.f32 v4, v1  }
0xcb: {  	s31 =	sadd.s32 $0xFFFFFFF0, s12;
	v40 =	vld.idx.msk [tilespmem:v7+s8+$0x0], $0xffff  }
0xcc: {  	v41 =	vadd.s32 s31, v0;
	v1 =	vadd.f32 v3, v1  }
0xcd: {  	s15 =	sadd.s32 $0xFFFFFFF1, s12;
	v3 =	vld.idx.msk [tilespmem:v38+s8+$0x0], $0xffff  }
0xce: {  	v42 =	vadd.s32 s15, v0;
	v1 =	vadd.f32 v2, v1  }
0xcf: {  	s16 =	sadd.s32 $0xFFFFFFF2, s12;
	v2 =	vld.idx.msk [tilespmem:v39+s8+$0x0], $0xffff  }
0xd0: {  	v43 =	vadd.s32 s16, v0;
	v1 =	vadd.f32 v40, v1  }
0xd1: {  	s17 =	sadd.s32 $0xFFFFFFF3, s12;
	v44 =	vld.idx.msk [tilespmem:v41+s8+$0x0], $0xffff  }
0xd2: {  	v45 =	vadd.s32 s17, v0;
	v1 =	vadd.f32 v3, v1  }
0xd3: {  	s18 =	sadd.s32 $0xFFFFFFF4, s12;
	v3 =	vld.idx.msk [tilespmem:v42+s8+$0x0], $0xffff  }
0xd4: {  	v46 =	vadd.s32 s18, v0;
	v1 =	vadd.f32 v2, v1  }
0xd5: {  	s19 =	sadd.s32 $0xFFFFFFF5, s12;
	v2 =	vld.idx.msk [tilespmem:v43+s8+$0x0], $0xffff  }
0xd6: {  	v47 =	vadd.s32 s19, v0;
	v1 =	vadd.f32 v44, v1  }
0xd7: {  	s20 =	sadd.s32 $0xFFFFFFF6, s12;
	v48 =	vld.idx.msk [tilespmem:v45+s8+$0x0], $0xffff  }
0xd8: {  	v49 =	vadd.s32 s20, v0;
	v1 =	vadd.f32 v3, v1  }
0xd9: {  	s21 =	sadd.s32 $0xFFFFFFF7, s12;
	v3 =	vld.idx.msk [tilespmem:v46+s8+$0x0], $0xffff  }
0xda: {  	v50 =	vadd.s32 s21, v0;
	v1 =	vadd.f32 v2, v1  }
0xdb: {  	s22 =	sadd.s32 $0xFFFFFFF8, s12;
	v2 =	vld.idx.msk [tilespmem:v47+s8+$0x0], $0xffff  }
0xdc: {  	v51 =	vadd.s32 s22, v0;
	v1 =	vadd.f32 v48, v1  }
0xdd: {  	s23 =	sadd.s32 $0xFFFFFFF9, s12;
	v52 =	vld.idx.msk [tilespmem:v49+s8+$0x0], $0xffff  }
0xde: {  	v53 =	vadd.s32 s23, v0;
	v1 =	vadd.f32 v3, v1  }
0xdf: {  	s24 =	sadd.s32 $0xFFFFFFFA, s12;
	v3 =	vld.idx.msk [tilespmem:v50+s8+$0x0], $0xffff  }
0xe0: {  	v54 =	vadd.s32 s24, v0;
	v1 =	vadd.f32 v2, v1  }
0xe1: {  	s25 =	sadd.s32 $0xFFFFFFFB, s12;
	v2 =	vld.idx.msk [tilespmem:v51+s8+$0x0], $0xffff  }
0xe2: {  	v55 =	vadd.s32 s25, v0;
	v1 =	vadd.f32 v52, v1  }
0xe3: {  	s26 =	sadd.s32 $0xFFFFFFFC, s12;
	v56 =	vld.idx.msk [tilespmem:v53+s8+$0x0], $0xffff  }
0xe4: {  	v57 =	vadd.s32 s26, v0;
	v1 =	vadd.f32 v3, v1  }
0xe5: {  	s28 =	sadd.s32 $0xFFFFFFFD, s12;
	v3 =	vld.idx.msk [tilespmem:v54+s8+$0x0], $0xffff  }
0xe6: {  	v58 =	vadd.s32 s28, v0;
	v1 =	vadd.f32 v2, v1  }
0xe7: {  	s29 =	sadd.s32 $0xFFFFFFFE, s12;
	v2 =	vld.idx.msk [tilespmem:v55+s8+$0x0], $0xffff  }
0xe8: {  	v59 =	vadd.s32 s29, v0;
	v1 =	vadd.f32 v56, v1  }
0xe9: {  	s30 =	sadd.s32 $0xFFFFFFFF, s12;
	v60 =	vld.idx.msk [tilespmem:v57+s8+$0x0], $0xffff  }
0xea: {  	v61 =	vadd.s32 s30, v0;
	v1 =	vadd.f32 v3, v1  }
0xeb: {  	v3 =	vld.idx.msk [tilespmem:v58+s8+$0x0], $0xffff  }
0xec: {  	v62 =	vadd.s32 s12, v0;
	v1 =	vadd.f32 v2, v1  }
0xed: {  	v2 =	vld.idx.msk [tilespmem:v59+s8+$0x0], $0xffff  }
0xee: {  	v1 =	vadd.f32 v60, v1  }
0xef: {  	v63 =	vld.idx.msk [tilespmem:v61+s8+$0x0], $0xffff  }
0xf0: {  	v1 =	vadd.f32 v3, v1  }
0xf1: {  	v3 =	vld.idx.msk [tilespmem:v62+s8+$0x0], $0xffff  }
0xf2: {  	v1 =	vadd.f32 v2, v1;
	_ =	sdelay $0x1  }
0xf3: {  	v1 =	vadd.f32 v63, v1;
	_ =	sdelay $0x1  }
0xf4: {  	s11 =	sadd.s32 $0x1, s11;
	v1 =	vadd.f32 v3, v1  }
0xf5: {  	s31 =	sadd.s32 $0x10, s13;
	p0 =	sne.s32 s11, s6  }
.Ltmp1:
0xf6: {  	[tilespmem:s31+$0x0] =	vst v1;
	(pc) =	sbr.rel @p0 .LBB2_1-.Ltmp1, $4  }
0xf7: {  	[hbm4b:s5+s2] =	stream.linear.scatter [tilespmem:s10], [sflag:$0x2], $0x200, $0x38;
	[tilespmem:$0x6A00] =	vst v63  }
0xf8: {  	_ =	swait.ge [sflag:s7], $0x200  }
0xf9: {  	[sflag:s7] =	ssyncset.done $0x0  }
0xfa: {  	[sflag:s7] =	ssyncadd.s32 $0xFFFFFE00  }
0xfb: {  	_ =	sfence.sel $0x180000  }
0xfc: {  	[bflag:$0x0] =	sbarrier.arrive $0xFFFF  }
0xfd: {  	p0 =	sne.s32 s0, $0x0;
	_ =	strace $0x90000047  }
0xfe: {  	s0 =	sadd.s32 @!p0 $0x100000, s1;
	[bflag:$0x2] =	sbarrier.arrive $0xFFFF  }
0xff: {  	[sflag:s0] =	ssyncadd.tile.s32 @!p0 $0x1;
	_ =	shalt  }
.Lfunc_end2:
_tile_overlayer_lowered:
.L_overlay_start_2:
0x100: {  	(tag) =	ssettag $0x2  }
0x101: {  	s0 =	rddreg [dreg:$0x0];
	s2 =	stileid.u32  }
0x102: {  	s1 =	rddreg [dreg:$0x1];
	p0 =	sne.s32 s2, $0x0  }
0x103: {  	s3 =	rddreg [dreg:$0x2];
	[bflag:$0x3] =	sbarrier.arrive $0xFFFF;
	s2 =	simm.s32 @!p0 $0x1C02  }
0x104: {  	[timem:s3], [sflag:s2] =	dma.local @!p0 [hbm:s0], s1  }
0x105: {  	s0 =	simm.s32 @!p0 $0x2  }
0x106: {  	_ =	swait.ge @!p0 [sflag:s0], s1  }
0x107: {  	s1 =	ssub.s32 @!p0 $0x0, s1;
	[sflag:s0] =	ssyncset.done @!p0 $0x0  }
0x108: {  	[sflag:s0] =	ssyncadd.s32 @!p0 s1  }
0x109: {  	[bflag:$0x3] =	sbarrier.arrive $0xFFFF  }
0x10a: {  	_ =	shalt  }

</sc_bundles>
